<compile_context>
chip_gen: v7x
topology: tpu7x:2x2x1
jax: 0.10.2.dev20260603
libtpu: 0.0.44.dev20260713+nightly
codegen_flags: <defaults>
</compile_context>

<pallas_src>
import functools

import jax
import jax.numpy as jnp
from jax.experimental import pallas as pl
from jax.experimental.pallas import tpu as pltpu
from jax.experimental.pallas import tpu_sc as plsc

N = 128
A = 256
C = 1000
BETA = 1.0
GWIN = 8


def _sc_gather_rows(kg_sigma, idx_row):
    half = N // 2

    @pl.kernel(
        out_type=jax.ShapeDtypeStruct((N, C), jnp.float32),
        mesh=plsc.ScalarSubcoreMesh(axis_name="core", num_cores=2),
        scratch_types=[pltpu.SMEM((N,), jnp.int32),
                       pltpu.SemaphoreType.DMA,
                       pltpu.SemaphoreType.DMA],
    )
    def _gather(kg_hbm, i_hbm, o_hbm, idx_sm, isem, sem):
        core = jax.lax.axis_index("core")
        pltpu.async_copy(i_hbm.at[0], idx_sm, isem).wait()

        @pl.loop(0, half)
        def _(i):
            k = core * half + i
            pltpu.async_copy(kg_hbm.at[idx_sm[k]], o_hbm.at[k], sem)

        @pl.loop(0, half)
        def _(i):
            k = core * half + i
            pltpu.make_async_copy(kg_hbm.at[idx_sm[k]], o_hbm.at[k],
                                  sem).wait()

    return _gather(kg_sigma, idx_row)


def _isda_body(labels_ref, tail_ref, wts_ref, x_ref, fc_ref, kgl_ref,
               loss_ref, y_ref):
    F = x_ref[...]
    W = fc_ref[...]
    labels = labels_ref[...]
    tail = tail_ref[...]
    wts = wts_ref[...]

    cls_iota = jax.lax.broadcasted_iota(jnp.int32, (N, C), 1)
    onehot = (cls_iota == labels).astype(jnp.float32)

    dot_t = functools.partial(
        jax.lax.dot_general,
        dimension_numbers=(((1,), (1,)), ((), ())),
        preferred_element_type=jnp.float32,
    )

    P = dot_t(onehot, onehot)
    cnt = jnp.sum(P, axis=1, keepdims=True)
    mean = jnp.dot(P, F, preferred_element_type=jnp.float32) / cnt
    H = (F - mean) ** 2 / cnt

    Bp = dot_t(kgl_ref[...], onehot)

    in_tail = jnp.max((labels == tail).astype(jnp.float32),
                      axis=1, keepdims=True)
    mixer = jnp.where(in_tail > 0, Bp, P)
    U = jnp.dot(mixer, H, preferred_element_type=jnp.float32)

    Wl = jnp.dot(onehot, W, preferred_element_type=jnp.float32)
    V = U * Wl
    s = jnp.sum(V * Wl, axis=1, keepdims=True)

    y = dot_t(F, W)
    Vw = dot_t(V, W)
    Uw2 = dot_t(U, W * W)
    Z = y + BETA * (0.5 * Uw2 - Vw + 0.5 * s)

    m = jnp.max(Z, axis=1, keepdims=True)
    lse = m + jnp.log(jnp.sum(jnp.exp(Z - m), axis=1, keepdims=True))
    z_lab = jnp.sum(Z * onehot, axis=1, keepdims=True)
    w_lab = jnp.sum(wts * onehot, axis=1, keepdims=True)
    nll = lse - z_lab
    loss_ref[...] = (jnp.sum(w_lab * nll, keepdims=True)
                     / jnp.sum(w_lab, keepdims=True))
    y_ref[...] = y


@jax.jit
def kernel(x, target_x, weights, kg_sigma, index_tail, fc_weight):
    labels = target_x.reshape(N, 1)
    tail = index_tail.reshape(1, -1)
    wts = weights.reshape(1, C)

    kgl = _sc_gather_rows(kg_sigma, target_x.reshape(1, N))

    loss, y = pl.pallas_call(
        _isda_body,
        out_shape=(
            jax.ShapeDtypeStruct((1, 1), jnp.float32),
            jax.ShapeDtypeStruct((N, C), jnp.float32),
        ),
    )(labels, tail, wts, x, fc_weight, kgl)
    return (loss[0, 0], y)

# --- scband reference (transcript-rebuilt; emitter-appended) ---
"""Pipeline reference for scband-isdaloss-71330816852541 (READ-ONLY COPY).

The authoritative reference and input builder live on the scoring server;
editing this copy changes nothing except your own understanding.
"""

import jax, jax.numpy as jnp
import numpy as np

FEATURE_NUM = 256
CLASS_NUM = 1000
N = 128
N_TAIL = 100
BETA = 1.0


def setup_inputs(seed: int = 0) -> dict:
    key = jax.random.key(seed)
    ks = jax.random.split(key, 8)
    x = jax.random.normal(ks[0], (N, FEATURE_NUM), dtype=jnp.float32)
    target_x = jax.random.randint(ks[1], (N,), 0, CLASS_NUM).astype(jnp.int32)
    weights = jax.random.uniform(ks[2], (CLASS_NUM,), dtype=jnp.float32)
    kg_sigma = jax.random.uniform(ks[3], (CLASS_NUM, CLASS_NUM), dtype=jnp.float32)
    index_tail = jax.random.randint(ks[4], (N_TAIL,), 0, CLASS_NUM).astype(jnp.int32)
    # learned param: fc weight of model.module.fc (Linear(feature_num -> class_num), no bias used by isda_aug)
    fc_weight = 0.01 * jax.random.normal(ks[5], (CLASS_NUM, FEATURE_NUM), dtype=jnp.float32)
    return {"x": x, "target_x": target_x, "weights": weights, "kg_sigma": kg_sigma,
            "index_tail": index_tail, "fc_weight": fc_weight}


def _update_cv(features, labels, class_num):
    # EstimatorCV.update_CV with fresh zero state (CoVariance=Ave=Amount=0)
    n, a = features.shape
    onehot = jnp.zeros((n, class_num), jnp.float32).at[jnp.arange(n), labels].set(1.0)
    nca_onehot = onehot[:, :, None]                       # [N, C, 1]
    features_by_sort = features[:, None, :] * nca_onehot  # [N, C, A]
    amount_ca = jnp.broadcast_to(onehot.sum(0)[:, None], (class_num, a))
    amount_ca = jnp.where(amount_ca == 0, 1.0, amount_ca)
    ave_ca = features_by_sort.sum(0) / amount_ca          # [C, A]
    var_temp = ((features_by_sort - ave_ca[None, :, :] * nca_onehot) ** 2).sum(0) / amount_ca
    sum_weight_cv = onehot.sum(0)[:, None]                # [C, 1]
    weight_cv = sum_weight_cv / (sum_weight_cv + 0.0)     # prev Amount == 0 -> 0/0 NaN for empty classes
    weight_cv = jnp.where(jnp.isnan(weight_cv), 0.0, weight_cv)
    additional_cv = weight_cv * (1.0 - weight_cv) * (0.0 - ave_ca) ** 2  # prev Ave == 0
    covariance = var_temp * weight_cv + additional_cv     # prev CoVariance == 0
    return covariance


def _isda_aug(fc_weight, features, y, labels, cv_matrix, beta):
    # vectorized form of the per-sample loop:
    # sigma2[i] = beta * ((W - W[labels[i]])**2 * CV[labels[i]]).sum(1)
    cv_temp = cv_matrix[labels]                 # [N, A]
    w_kj = fc_weight[labels][:, None, :]        # [N, 1, A]
    diff = fc_weight[None, :, :] - w_kj         # [N, C, A]
    sigma2 = beta * (diff ** 2 * cv_temp[:, None, :]).sum(-1)  # [N, C]
    return y + 0.5 * sigma2


def _weighted_cross_entropy(logits, target, weights):
    logp = jax.nn.log_softmax(logits, axis=-1)
    nll = -jnp.take_along_axis(logp, target[:, None], axis=1)[:, 0]
    w = weights[target]
    return (w * nll).sum() / w.sum()


def reference(x, target_x, weights, kg_sigma, index_tail, fc_weight):
    # model(x) -> (y, features): modeled as features = x (backbone output), y = fc(features)
    features = x
    y = features @ fc_weight.T
    covariance = _update_cv(jax.lax.stop_gradient(features), target_x, CLASS_NUM)
    cv_var_new = kg_sigma[index_tail] @ covariance            # [n_tail, A]
    cv_var = covariance.at[index_tail].set(cv_var_new)
    isda_aug_y = _isda_aug(fc_weight, features, y, target_x, jax.lax.stop_gradient(cv_var), BETA)
    loss = _weighted_cross_entropy(isda_aug_y, target_x, weights)
    return (loss, y)

if __name__ == "__main__":
    import jax
    _d = setup_inputs()
    print(jax.jit(kernel)(*tuple(_d.values())))

</pallas_src>

<mosaic_0001>
#map = affine_map<(d0) -> (0, 0)>
module attributes {stable_mosaic.version = 14 : i64} {
  func.func @_gather(%arg0: i32, %arg1: memref<1000x1000xf32, #tpu.memory_space<hbm>>, %arg2: memref<1x128xi32, #tpu.memory_space<hbm>>, %arg3: memref<128x1000xf32, #tpu.memory_space<hbm>>, %arg4: memref<128xi32, #tpu.memory_space<smem>>, %arg5: memref<!tpu.dma_semaphore, #tpu.memory_space<semaphore_mem>>, %arg6: memref<!tpu.dma_semaphore, #tpu.memory_space<semaphore_mem>>) attributes {dimension_semantics = [#tpu.dimension_semantics<core_parallel>], iteration_bounds = array<i64: 2>, scalar_prefetch = 0 : i64, scratch_operands = 3 : i64, tpu.core_type = #tpu.core_type<sc_scalar_subcore>, window_params = [{transform_indices = #map}, {transform_indices = #map}, {transform_indices = #map}]} {
    %dma_start3A = arith.constant 0 : i32
    %dma_start3A_0 = arith.constant 0 : i32
    %dma_start3A_1 = tpu.memref_slice %arg2[%dma_start3A, %dma_start3A_0] : memref<1x128xi32, #tpu.memory_space<hbm>> -> memref<1x128xi32, #tpu.memory_space<hbm>>
    %dma_start3A_2 = tpu.memref_squeeze %dma_start3A_1 : memref<1x128xi32, #tpu.memory_space<hbm>> -> memref<128xi32, #tpu.memory_space<hbm>>
    tpu.enqueue_dma source(%dma_start3A_2 : memref<128xi32, #tpu.memory_space<hbm>>) target(%arg4 : memref<128xi32, #tpu.memory_space<smem>>) target_semaphore(%arg5 : memref<!tpu.dma_semaphore, #tpu.memory_space<semaphore_mem>>)
    %dma_wait3A = arith.constant 0 : i32
    %dma_wait3A_3 = arith.constant 0 : i32
    %dma_wait3A_4 = tpu.memref_slice %arg2[%dma_wait3A, %dma_wait3A_3] : memref<1x128xi32, #tpu.memory_space<hbm>> -> memref<1x128xi32, #tpu.memory_space<hbm>>
    %dma_wait3A_5 = tpu.memref_squeeze %dma_wait3A_4 : memref<1x128xi32, #tpu.memory_space<hbm>> -> memref<128xi32, #tpu.memory_space<hbm>>
    tpu.wait_dma2 semaphore(%arg5 : memref<!tpu.dma_semaphore, #tpu.memory_space<semaphore_mem>>) src(%dma_wait3A_5 : memref<128xi32, #tpu.memory_space<hbm>>) dst(%arg4 : memref<128xi32, #tpu.memory_space<smem>>)
    %scan3A = arith.constant 0 : i32
    %scan3A_6 = arith.constant 64 : i32
    %scan3A_7 = arith.addi %scan3A, %scan3A_6 : i32
    %scan3A_8 = arith.constant 1 : i32
    scf.for %scan3A_15 = %scan3A to %scan3A_7 step %scan3A_8  : i32 {
      %mul3A = arith.constant 1 : i32
      %mul3A_16 = arith.muli %scan3A_15, %mul3A : i32
      %add3A = arith.constant 0 : i32
      %add3A_17 = arith.addi %add3A, %mul3A_16 : i32
      %mul3A_18 = arith.constant 64 : i32
      %mul3A_19 = arith.muli %arg0, %mul3A_18 : i32
      %add3A_20 = arith.addi %mul3A_19, %add3A_17 : i32
      %get3A = arith.index_cast %add3A_20 : i32 to index
      %get3A_21 = memref.load %arg4[%get3A] : memref<128xi32, #tpu.memory_space<smem>>
      %dma_start3A_22 = arith.constant 0 : i32
      %dma_start3A_23 = tpu.memref_slice %arg3[%add3A_20, %dma_start3A_22] : memref<128x1000xf32, #tpu.memory_space<hbm>> -> memref<1x1000xf32, #tpu.memory_space<hbm>>
      %dma_start3A_24 = tpu.memref_squeeze %dma_start3A_23 : memref<1x1000xf32, #tpu.memory_space<hbm>> -> memref<1000xf32, #tpu.memory_space<hbm>>
      %dma_start3A_25 = arith.constant 0 : i32
      %dma_start3A_26 = tpu.memref_slice %arg1[%get3A_21, %dma_start3A_25] : memref<1000x1000xf32, #tpu.memory_space<hbm>> -> memref<1x1000xf32, #tpu.memory_space<hbm>>
      %dma_start3A_27 = tpu.memref_squeeze %dma_start3A_26 : memref<1x1000xf32, #tpu.memory_space<hbm>> -> memref<1000xf32, #tpu.memory_space<hbm>>
      tpu.enqueue_dma source(%dma_start3A_27 : memref<1000xf32, #tpu.memory_space<hbm>>) target(%dma_start3A_24 : memref<1000xf32, #tpu.memory_space<hbm>>) target_semaphore(%arg6 : memref<!tpu.dma_semaphore, #tpu.memory_space<semaphore_mem>>)
    }
    %scan3A_9 = arith.constant 64 : i32
    %scan3A_10 = arith.constant 0 : i32
    %scan3A_11 = arith.constant 64 : i32
    %scan3A_12 = arith.addi %scan3A_10, %scan3A_11 : i32
    %scan3A_13 = arith.constant 1 : i32
    scf.for %scan3A_15 = %scan3A_10 to %scan3A_12 step %scan3A_13  : i32 {
      %mul3A = arith.constant 1 : i32
      %mul3A_16 = arith.muli %scan3A_15, %mul3A : i32
      %add3A = arith.constant 0 : i32
      %add3A_17 = arith.addi %add3A, %mul3A_16 : i32
      %mul3A_18 = arith.constant 64 : i32
      %mul3A_19 = arith.muli %arg0, %mul3A_18 : i32
      %add3A_20 = arith.addi %mul3A_19, %add3A_17 : i32
      %get3A = arith.index_cast %add3A_20 : i32 to index
      %get3A_21 = memref.load %arg4[%get3A] : memref<128xi32, #tpu.memory_space<smem>>
      %dma_wait3A_22 = arith.constant 0 : i32
      %dma_wait3A_23 = tpu.memref_slice %arg3[%add3A_20, %dma_wait3A_22] : memref<128x1000xf32, #tpu.memory_space<hbm>> -> memref<1x1000xf32, #tpu.memory_space<hbm>>
      %dma_wait3A_24 = tpu.memref_squeeze %dma_wait3A_23 : memref<1x1000xf32, #tpu.memory_space<hbm>> -> memref<1000xf32, #tpu.memory_space<hbm>>
      %dma_wait3A_25 = arith.constant 0 : i32
      %dma_wait3A_26 = tpu.memref_slice %arg1[%get3A_21, %dma_wait3A_25] : memref<1000x1000xf32, #tpu.memory_space<hbm>> -> memref<1x1000xf32, #tpu.memory_space<hbm>>
      %dma_wait3A_27 = tpu.memref_squeeze %dma_wait3A_26 : memref<1x1000xf32, #tpu.memory_space<hbm>> -> memref<1000xf32, #tpu.memory_space<hbm>>
      tpu.wait_dma2 semaphore(%arg6 : memref<!tpu.dma_semaphore, #tpu.memory_space<semaphore_mem>>) src(%dma_wait3A_27 : memref<1000xf32, #tpu.memory_space<hbm>>) dst(%dma_wait3A_24 : memref<1000xf32, #tpu.memory_space<hbm>>)
    }
    %scan3A_14 = arith.constant 64 : i32
    return
  }
}

module attributes {stable_mosaic.version = 14 : i64} {
  func.func @_isda_body(%arg0: memref<128x1xi32, #tpu.memory_space<vmem>>, %arg1: memref<1x100xi32, #tpu.memory_space<vmem>>, %arg2: memref<1x1000xf32, #tpu.memory_space<vmem>>, %arg3: memref<128x256xf32, #tpu.memory_space<vmem>>, %arg4: memref<1000x256xf32, #tpu.memory_space<vmem>>, %arg5: memref<128x1000xf32, #tpu.memory_space<vmem>>, %arg6: memref<1x1xf32, #tpu.memory_space<vmem>>, %arg7: memref<128x1000xf32, #tpu.memory_space<vmem>>) attributes {dimension_semantics = [], scalar_prefetch = 0 : i64, scratch_operands = 0 : i64, tpu.core_type = #tpu.core_type<tc>} {
    %get3A = arith.constant 0 : index
    %get3A_0 = arith.constant 0 : index
    %get3A_1 = vector.load %arg3[%get3A, %get3A_0] : memref<128x256xf32, #tpu.memory_space<vmem>>, vector<128x256xf32>
    %get3A_2 = arith.constant 0 : index
    %get3A_3 = arith.constant 0 : index
    %get3A_4 = vector.load %arg4[%get3A_2, %get3A_3] : memref<1000x256xf32, #tpu.memory_space<vmem>>, vector<1000x256xf32>
    %get3A_5 = arith.constant 0 : index
    %get3A_6 = arith.constant 0 : index
    %get3A_7 = vector.load %arg0[%get3A_5, %get3A_6] : memref<128x1xi32, #tpu.memory_space<vmem>>, vector<128x1xi32>
    %get3A_8 = arith.constant 0 : index
    %get3A_9 = arith.constant 0 : index
    %get3A_10 = vector.load %arg1[%get3A_8, %get3A_9] : memref<1x100xi32, #tpu.memory_space<vmem>>, vector<1x100xi32>
    %get3A_11 = arith.constant 0 : index
    %get3A_12 = arith.constant 0 : index
    %get3A_13 = vector.load %arg2[%get3A_11, %get3A_12] : memref<1x1000xf32, #tpu.memory_space<vmem>>, vector<1x1000xf32>
    %iota3A = tpu.iota {dimensions = array<i32: 1>} : vector<128x1000xi32>
    %eq3A = vector.broadcast %get3A_7 : vector<128x1xi32> to vector<128x1000xi32>
    %eq3A_14 = arith.cmpi eq, %iota3A, %eq3A : vector<128x1000xi32>
    %convert_element_type3A = arith.extui %eq3A_14 : vector<128x1000xi1> to vector<128x1000xi32>
    %convert_element_type3A_15 = arith.sitofp %convert_element_type3A : vector<128x1000xi32> to vector<128x1000xf32>
    %dot_general3A = arith.constant dense<0.000000e+00> : vector<128x128xf32>
    %dot_general3A_16 = tpu.matmul %convert_element_type3A_15, %convert_element_type3A_15, %dot_general3A {dimension_numbers = #tpu.dot_dimension_numbers<[1], [1], [0], [0], [0, 0, 1, 0], [], []>, transpose_lhs_hint = false} : vector<128x1000xf32>, vector<128x1000xf32>, vector<128x128xf32> -> vector<128x128xf32>
    %reduce_sum3A = arith.constant dense<0.000000e+00> : vector<128xf32>
    %reduce_sum3A_17 = vector.multi_reduction <add>, %dot_general3A_16, %reduce_sum3A [1] : vector<128x128xf32> to vector<128xf32>
    %broadcast_in_dim3A = vector.shape_cast %reduce_sum3A_17 : vector<128xf32> to vector<128x1xf32>
    %dot_general3A_18 = arith.constant dense<0.000000e+00> : vector<128x256xf32>
    %dot_general3A_19 = tpu.matmul %dot_general3A_16, %get3A_1, %dot_general3A_18 {dimension_numbers = #tpu.dot_dimension_numbers<[1], [0], [0], [1], [0, 0, 1, 1], [], []>, transpose_lhs_hint = false} : vector<128x128xf32>, vector<128x256xf32>, vector<128x256xf32> -> vector<128x256xf32>
    %div3A = vector.broadcast %broadcast_in_dim3A : vector<128x1xf32> to vector<128x256xf32>
    %div3A_20 = arith.divf %dot_general3A_19, %div3A : vector<128x256xf32>
    %sub3A = arith.subf %get3A_1, %div3A_20 : vector<128x256xf32>
    %integer_pow3A = arith.mulf %sub3A, %sub3A : vector<128x256xf32>
    %div3A_21 = vector.broadcast %broadcast_in_dim3A : vector<128x1xf32> to vector<128x256xf32>
    %div3A_22 = arith.divf %integer_pow3A, %div3A_21 : vector<128x256xf32>
    %get3A_23 = arith.constant 0 : index
    %get3A_24 = arith.constant 0 : index
    %get3A_25 = vector.load %arg5[%get3A_23, %get3A_24] : memref<128x1000xf32, #tpu.memory_space<vmem>>, vector<128x1000xf32>
    %dot_general3A_26 = arith.constant dense<0.000000e+00> : vector<128x128xf32>
    %dot_general3A_27 = tpu.matmul %get3A_25, %convert_element_type3A_15, %dot_general3A_26 {dimension_numbers = #tpu.dot_dimension_numbers<[1], [1], [0], [0], [0, 0, 1, 0], [], []>, transpose_lhs_hint = false} : vector<128x1000xf32>, vector<128x1000xf32>, vector<128x128xf32> -> vector<128x128xf32>
    %eq3A_28 = vector.broadcast %get3A_7 : vector<128x1xi32> to vector<128x100xi32>
    %eq3A_29 = vector.broadcast %get3A_10 : vector<1x100xi32> to vector<128x100xi32>
    %eq3A_30 = arith.cmpi eq, %eq3A_28, %eq3A_29 : vector<128x100xi32>
    %convert_element_type3A_31 = arith.extui %eq3A_30 : vector<128x100xi1> to vector<128x100xi32>
    %convert_element_type3A_32 = arith.sitofp %convert_element_type3A_31 : vector<128x100xi32> to vector<128x100xf32>
    %reduce_max3A = arith.constant dense<0xFF800000> : vector<128xf32>
    %reduce_max3A_33 = vector.multi_reduction <maximumf>, %convert_element_type3A_32, %reduce_max3A [1] : vector<128x100xf32> to vector<128xf32>
    %broadcast_in_dim3A_34 = vector.shape_cast %reduce_max3A_33 : vector<128xf32> to vector<128x1xf32>
    %gt3A = arith.constant 0.000000e+00 : f32
    %gt3A_35 = vector.broadcast %gt3A : f32 to vector<128x1xf32>
    %gt3A_36 = arith.cmpf ogt, %broadcast_in_dim3A_34, %gt3A_35 : vector<128x1xf32>
    %broadcast_in_dim3A_37 = vector.shape_cast %gt3A_36 : vector<128x1xi1> to vector<128x1xi1>
    %broadcast_in_dim3A_38 = vector.broadcast %broadcast_in_dim3A_37 : vector<128x1xi1> to vector<128x128xi1>
    %select_n3A = arith.select %broadcast_in_dim3A_38, %dot_general3A_27, %dot_general3A_16 : vector<128x128xi1>, vector<128x128xf32>
    %dot_general3A_39 = arith.constant dense<0.000000e+00> : vector<128x256xf32>
    %dot_general3A_40 = tpu.matmul %select_n3A, %div3A_22, %dot_general3A_39 {dimension_numbers = #tpu.dot_dimension_numbers<[1], [0], [0], [1], [0, 0, 1, 1], [], []>, transpose_lhs_hint = false} : vector<128x128xf32>, vector<128x256xf32>, vector<128x256xf32> -> vector<128x256xf32>
    %dot_general3A_41 = arith.constant dense<0.000000e+00> : vector<128x256xf32>
    %dot_general3A_42 = tpu.matmul %convert_element_type3A_15, %get3A_4, %dot_general3A_41 {dimension_numbers = #tpu.dot_dimension_numbers<[1], [0], [0], [1], [0, 0, 1, 1], [], []>, transpose_lhs_hint = false} : vector<128x1000xf32>, vector<1000x256xf32>, vector<128x256xf32> -> vector<128x256xf32>
    %mul3A = arith.mulf %dot_general3A_40, %dot_general3A_42 : vector<128x256xf32>
    %mul3A_43 = arith.mulf %mul3A, %dot_general3A_42 : vector<128x256xf32>
    %reduce_sum3A_44 = arith.constant dense<0.000000e+00> : vector<128xf32>
    %reduce_sum3A_45 = vector.multi_reduction <add>, %mul3A_43, %reduce_sum3A_44 [1] : vector<128x256xf32> to vector<128xf32>
    %broadcast_in_dim3A_46 = vector.shape_cast %reduce_sum3A_45 : vector<128xf32> to vector<128x1xf32>
    %dot_general3A_47 = arith.constant dense<0.000000e+00> : vector<128x1000xf32>
    %dot_general3A_48 = tpu.matmul %get3A_1, %get3A_4, %dot_general3A_47 {dimension_numbers = #tpu.dot_dimension_numbers<[1], [1], [0], [0], [0, 0, 1, 0], [], []>, transpose_lhs_hint = false} : vector<128x256xf32>, vector<1000x256xf32>, vector<128x1000xf32> -> vector<128x1000xf32>
    %dot_general3A_49 = arith.constant dense<0.000000e+00> : vector<128x1000xf32>
    %dot_general3A_50 = tpu.matmul %mul3A, %get3A_4, %dot_general3A_49 {dimension_numbers = #tpu.dot_dimension_numbers<[1], [1], [0], [0], [0, 0, 1, 0], [], []>, transpose_lhs_hint = false} : vector<128x256xf32>, vector<1000x256xf32>, vector<128x1000xf32> -> vector<128x1000xf32>
    %mul3A_51 = arith.mulf %get3A_4, %get3A_4 : vector<1000x256xf32>
    %dot_general3A_52 = arith.constant dense<0.000000e+00> : vector<128x1000xf32>
    %dot_general3A_53 = tpu.matmul %dot_general3A_40, %mul3A_51, %dot_general3A_52 {dimension_numbers = #tpu.dot_dimension_numbers<[1], [1], [0], [0], [0, 0, 1, 0], [], []>, transpose_lhs_hint = false} : vector<128x256xf32>, vector<1000x256xf32>, vector<128x1000xf32> -> vector<128x1000xf32>
    %mul3A_54 = arith.constant 5.000000e-01 : f32
    %mul3A_55 = vector.broadcast %mul3A_54 : f32 to vector<128x1000xf32>
    %mul3A_56 = arith.mulf %mul3A_55, %dot_general3A_53 : vector<128x1000xf32>
    %sub3A_57 = arith.subf %mul3A_56, %dot_general3A_50 : vector<128x1000xf32>
    %mul3A_58 = arith.constant 5.000000e-01 : f32
    %mul3A_59 = vector.broadcast %mul3A_58 : f32 to vector<128x1xf32>
    %mul3A_60 = arith.mulf %mul3A_59, %broadcast_in_dim3A_46 : vector<128x1xf32>
    %add3A = vector.broadcast %mul3A_60 : vector<128x1xf32> to vector<128x1000xf32>
    %add3A_61 = arith.addf %sub3A_57, %add3A : vector<128x1000xf32>
    %mul3A_62 = arith.constant 1.000000e+00 : f32
    %mul3A_63 = vector.broadcast %mul3A_62 : f32 to vector<128x1000xf32>
    %mul3A_64 = arith.mulf %mul3A_63, %add3A_61 : vector<128x1000xf32>
    %add3A_65 = arith.addf %dot_general3A_48, %mul3A_64 : vector<128x1000xf32>
    %reduce_max3A_66 = arith.constant dense<0xFF800000> : vector<128xf32>
    %reduce_max3A_67 = vector.multi_reduction <maximumf>, %add3A_65, %reduce_max3A_66 [1] : vector<128x1000xf32> to vector<128xf32>
    %broadcast_in_dim3A_68 = vector.shape_cast %reduce_max3A_67 : vector<128xf32> to vector<128x1xf32>
    %sub3A_69 = vector.broadcast %broadcast_in_dim3A_68 : vector<128x1xf32> to vector<128x1000xf32>
    %sub3A_70 = arith.subf %add3A_65, %sub3A_69 : vector<128x1000xf32>
    %exp3A = math.exp %sub3A_70 : vector<128x1000xf32>
    %reduce_sum3A_71 = arith.constant dense<0.000000e+00> : vector<128xf32>
    %reduce_sum3A_72 = vector.multi_reduction <add>, %exp3A, %reduce_sum3A_71 [1] : vector<128x1000xf32> to vector<128xf32>
    %broadcast_in_dim3A_73 = vector.shape_cast %reduce_sum3A_72 : vector<128xf32> to vector<128x1xf32>
    %log3A = math.log %broadcast_in_dim3A_73 : vector<128x1xf32>
    %add3A_74 = arith.addf %broadcast_in_dim3A_68, %log3A : vector<128x1xf32>
    %mul3A_75 = arith.mulf %add3A_65, %convert_element_type3A_15 : vector<128x1000xf32>
    %reduce_sum3A_76 = arith.constant dense<0.000000e+00> : vector<128xf32>
    %reduce_sum3A_77 = vector.multi_reduction <add>, %mul3A_75, %reduce_sum3A_76 [1] : vector<128x1000xf32> to vector<128xf32>
    %broadcast_in_dim3A_78 = vector.shape_cast %reduce_sum3A_77 : vector<128xf32> to vector<128x1xf32>
    %mul3A_79 = vector.broadcast %get3A_13 : vector<1x1000xf32> to vector<128x1000xf32>
    %mul3A_80 = arith.mulf %mul3A_79, %convert_element_type3A_15 : vector<128x1000xf32>
    %reduce_sum3A_81 = arith.constant dense<0.000000e+00> : vector<128xf32>
    %reduce_sum3A_82 = vector.multi_reduction <add>, %mul3A_80, %reduce_sum3A_81 [1] : vector<128x1000xf32> to vector<128xf32>
    %broadcast_in_dim3A_83 = vector.shape_cast %reduce_sum3A_82 : vector<128xf32> to vector<128x1xf32>
    %sub3A_84 = arith.subf %add3A_74, %broadcast_in_dim3A_78 : vector<128x1xf32>
    %mul3A_85 = arith.mulf %broadcast_in_dim3A_83, %sub3A_84 : vector<128x1xf32>
    %reduce_sum3A_86 = vector.shape_cast %mul3A_85 : vector<128x1xf32> to vector<1x128x1xf32>
    %reduce_sum3A_87 = arith.constant dense<0.000000e+00> : vector<1xf32>
    %reduce_sum3A_88 = vector.multi_reduction <add>, %reduce_sum3A_86, %reduce_sum3A_87 [1, 2] : vector<1x128x1xf32> to vector<1xf32>
    %reduce_sum3A_89 = vector.shape_cast %reduce_sum3A_88 : vector<1xf32> to vector<1x1x1xf32>
    %reduce_sum3A_90 = vector.extract %reduce_sum3A_89[0, 0, 0] : f32 from vector<1x1x1xf32>
    %broadcast_in_dim3A_91 = vector.broadcast %reduce_sum3A_90 : f32 to vector<1x1xf32>
    %reduce_sum3A_92 = vector.shape_cast %broadcast_in_dim3A_83 : vector<128x1xf32> to vector<1x128x1xf32>
    %reduce_sum3A_93 = arith.constant dense<0.000000e+00> : vector<1xf32>
    %reduce_sum3A_94 = vector.multi_reduction <add>, %reduce_sum3A_92, %reduce_sum3A_93 [1, 2] : vector<1x128x1xf32> to vector<1xf32>
    %reduce_sum3A_95 = vector.shape_cast %reduce_sum3A_94 : vector<1xf32> to vector<1x1x1xf32>
    %reduce_sum3A_96 = vector.extract %reduce_sum3A_95[0, 0, 0] : f32 from vector<1x1x1xf32>
    %broadcast_in_dim3A_97 = vector.broadcast %reduce_sum3A_96 : f32 to vector<1x1xf32>
    %div3A_98 = arith.divf %broadcast_in_dim3A_91, %broadcast_in_dim3A_97 : vector<1x1xf32>
    %swap3A = arith.constant 0 : index
    %swap3A_99 = arith.constant 0 : index
    %swap3A_100 = vector.load %arg6[%swap3A, %swap3A_99] : memref<1x1xf32, #tpu.memory_space<vmem>>, vector<1x1xf32>
    tpu.vector_store %arg6[%swap3A, %swap3A_99], %div3A_98 {strides = array<i32>} : memref<1x1xf32, #tpu.memory_space<vmem>>, vector<1x1xf32>,
    %swap3A_101 = arith.constant 0 : index
    %swap3A_102 = arith.constant 0 : index
    %swap3A_103 = vector.load %arg7[%swap3A_101, %swap3A_102] : memref<128x1000xf32, #tpu.memory_space<vmem>>, vector<128x1000xf32>
    tpu.vector_store %arg7[%swap3A_101, %swap3A_102], %dot_general3A_48 {strides = array<i32>} : memref<128x1000xf32, #tpu.memory_space<vmem>>, vector<128x1000xf32>,
    return
  }
}

</mosaic_0001>

<sc_bundles>
// kernel: kernel.4.cloned.1.call-start
scs
__scs_entry_jumppad:
0x0: {  	(pc) =	sbr.rel $0x88, $3  }
0x1: {  	(tag) =	ssettag $0x0;
	lr =	simm.s32 $0x1  }
0x2: {  	[smem:$0x3F9B] =	sst lr;
	_ =	strace $0xD0000000  }
0x3: {  	_ = 	snop  }
0x4: {  	_ = 	snop  }
0x5: {  	_ = 	snop  }
0x6: {  	_ = 	snop  }
0x7: {  	_ = 	snop  }
__scs_overlays_trampoline_lowered:
0x8: {  	[smem:$0x3FAA] =	sst s0  }
0x9: {  	[smem:$0x3FAB] =	sst s1  }
0xa: {  	[smem:$0x3FAC] =	sst s2  }
0xb: {  	[smem:$0x3FAD] =	sst s3  }
0xc: {  	[smem:$0x3FAE] =	sst s4  }
0xd: {  	[smem:$0x3FAF] =	sst s5  }
0xe: {  	[smem:$0x3FB0] =	sst s6  }
0xf: {  	[smem:$0x3FB1] =	sst s7  }
0x10: {  	[smem:$0x3FB2] =	sst s8  }
0x11: {  	[smem:$0x3FB3] =	sst s9;
	s0 =	simm.s32 @!p0 $0x0  }
0x12: {  	s1 =	sld [smem:$0x3F99];
	s0 =	simm.s32 @p0 $0x1  }
0x13: {  	[smem:$0x3FB4] =	sst s0;
	s0 =	simm.s32 @!p1 $0x0  }
0x14: {  	s2 =	sld [smem:$0x3F98];
	s0 =	simm.s32 @p1 $0x1  }
0x15: {  	[smem:$0x3FB5] =	sst s0;
	s0 =	simm.s32 @!p2 $0x0  }
0x16: {  	s3 =	sld [smem:$0x3FDB];
	s0 =	simm.s32 @p2 $0x1  }
0x17: {  	s4 =	simm.s32 $0x1BF5;
	[smem:$0x3FB7] =	sst s0  }
0x18: {  	s0 =	sld [smem:$0x3F9A];
	_ =	swait.ge [sflag:s4], $0x0  }
0x19: {  	s7 =	sld [smem:$0x3F9B]  }
0x1a: {  	s8 =	sadd.s32 $0xFFFFE003, lr  }
0x1b: {  	s9 =	sadd.s32 $0xFFFFFEF7, lr;
	s5 =	simm.s32 $0xFFFFFFFF;
	p2 =	slt.u32 s8, $0xFFFFF086  }
0x1c: {  	p1 =	slt.u32 s9, $0xF7A;
	s5 =	simm.s32 @!p2 $0x0  }
0x1d: {  	s5 =	simm.s32 @p1 $0x1;
	p0 =	seq.s32 s7, s2  }
0x1e: {  	s7 =	smul.u32 @!p0 $0xF7A, s2;
	p2 =	seq.s32 @!p0 s5, $0x0  }
0x1f: {  	s9 =	smul.u32 $0xF7A, s1;
	s8 =	simm.s32 @!p0 $0x1BF5;
	p2 =	por !p2, p0  }
0x20: {  	[sflag:s8] =	ssyncset.s32 @!p0 $0xFFFFF086;
	s6 =	sadd.s32 @!p0 s3, s7;
	s7 =	simm.s32 @!p0 $0x108  }
0x21: {  	s3 =	sadd.s32 s3, s9;
	s6 =	sadd.s32 @!p0 $0x88, s6;
	s7 =	simm.s32 @p2 $0x1082  }
0x22: {  	[simem:s7], [sflag:s8] =	dma.local @!p0 [hbm:s6], $0xF7A  }
0x23: {  	s9 =	sor.u32 $0xD0000000, s2;
	s6 =	simm.s32 $0x108;
	_ =	swait.ge @!p0 [sflag:s8], $0x0  }
0x24: {  	s3 =	sadd.s32 $0x88, s3;
	s6 =	simm.s32 @!p1 $0x1082;
	[sflag:s4] =	ssyncset.s32 $0xFFFFF086  }
0x25: {  	[simem:s6], [sflag:s4] =	dma.local [hbm:s3], $0xF7A  }
0x26: {  	[smem:$0x3F9B] =	sst s1;
	(tag) =	ssettag s2;
	_ =	strace s9  }
0x27: {  	s1 =	sld [smem:$0x3FAB]  }
0x28: {  	s2 =	sld [smem:$0x3FAC]  }
0x29: {  	s4 =	sld [smem:$0x3FAE]  }
0x2a: {  	p0 =	seq.s32 s5, $0x0;
	s5 =	sld [smem:$0x3FAF]  }
0x2b: {  	s6 =	sld [smem:$0x3FB0]  }
0x2c: {  	s7 =	sld [smem:$0x3FB1]  }
0x2d: {  	s3 =	simm.s32 $0x108;
	s8 =	sld [smem:$0x3FB2]  }
0x2e: {  	s3 =	simm.s32 @!p0 $0x1082;
	s9 =	sld [smem:$0x3FB3]  }
0x2f: {  	lr =	sadd.s32 s0, s3;
	s0 =	sld [smem:$0x3FAA]  }
0x30: {  	s3 =	sld [smem:$0x3FAD]  }
0x31: {  	[smem:$0x3FB6] =	sst s10  }
0x32: {  	s10 =	sld [smem:$0x3FB4];
	_ =	sdelay $0x3  }
0x33: {  	p0 =	seq.s32 s10, $0x1;
	s10 =	sld [smem:$0x3FB6];
	_ =	sdelay $0x3  }
0x34: {  	[smem:$0x3FB6] =	sst s10  }
0x35: {  	s10 =	sld [smem:$0x3FB5];
	_ =	sdelay $0x3  }
0x36: {  	p1 =	seq.s32 s10, $0x1;
	s10 =	sld [smem:$0x3FB6];
	_ =	sdelay $0x3  }
0x37: {  	[smem:$0x3FB6] =	sst s10  }
0x38: {  	s10 =	sld [smem:$0x3FB7]  }
0x39: {  	_ = 	snop;
	(pc) =	sbr.ind lr, $3  }
0x3a: {  	_ = 	snop  }
0x3b: {  	_ = 	snop  }
0x3c: {  	p2 =	seq.s32 s10, $0x1;
	s10 =	sld [smem:$0x3FB6]  }
0x3d: {  	_ =	shalt  }
0x3e: {  	_ =	shalt  }
0x3f: {  	_ =	shalt  }
0x40: {  	_ =	shalt  }
0x41: {  	_ =	shalt  }
0x42: {  	_ =	shalt  }
0x43: {  	_ =	shalt  }
0x44: {  	_ =	shalt  }
0x45: {  	_ =	shalt  }
0x46: {  	_ =	shalt  }
0x47: {  	_ =	shalt  }
0x48: {  	_ =	shalt  }
0x49: {  	_ =	shalt  }
0x4a: {  	_ =	shalt  }
0x4b: {  	_ =	shalt  }
0x4c: {  	_ =	shalt  }
0x4d: {  	_ =	shalt  }
0x4e: {  	_ =	shalt  }
0x4f: {  	_ =	shalt  }
0x50: {  	_ =	shalt  }
0x51: {  	_ =	shalt  }
0x52: {  	_ =	shalt  }
0x53: {  	_ =	shalt  }
0x54: {  	_ =	shalt  }
0x55: {  	_ =	shalt  }
0x56: {  	_ =	shalt  }
0x57: {  	_ =	shalt  }
0x58: {  	_ =	shalt  }
0x59: {  	_ =	shalt  }
0x5a: {  	_ =	shalt  }
0x5b: {  	_ =	shalt  }
0x5c: {  	_ =	shalt  }
0x5d: {  	_ =	shalt  }
0x5e: {  	_ =	shalt  }
0x5f: {  	_ =	shalt  }
0x60: {  	_ =	shalt  }
0x61: {  	_ =	shalt  }
0x62: {  	_ =	shalt  }
0x63: {  	_ =	shalt  }
0x64: {  	_ =	shalt  }
0x65: {  	_ =	shalt  }
0x66: {  	_ =	shalt  }
0x67: {  	_ =	shalt  }
0x68: {  	_ =	shalt  }
0x69: {  	_ =	shalt  }
0x6a: {  	_ =	shalt  }
0x6b: {  	_ =	shalt  }
0x6c: {  	_ =	shalt  }
0x6d: {  	_ =	shalt  }
0x6e: {  	_ =	shalt  }
0x6f: {  	_ =	shalt  }
0x70: {  	_ =	shalt  }
0x71: {  	_ =	shalt  }
0x72: {  	_ =	shalt  }
0x73: {  	_ =	shalt  }
0x74: {  	_ =	shalt  }
0x75: {  	_ =	shalt  }
0x76: {  	_ =	shalt  }
0x77: {  	_ =	shalt  }
0x78: {  	_ =	shalt  }
0x79: {  	_ =	shalt  }
0x7a: {  	_ =	shalt  }
0x7b: {  	_ =	shalt  }
0x7c: {  	_ =	shalt  }
0x7d: {  	_ =	shalt  }
0x7e: {  	_ =	shalt  }
0x7f: {  	_ =	shalt  }
0x80: {  	_ =	shalt  }
0x81: {  	_ =	shalt  }
0x82: {  	_ =	shalt  }
0x83: {  	_ =	shalt  }
0x84: {  	_ =	shalt  }
0x85: {  	_ =	shalt  }
0x86: {  	_ =	shalt  }
0x87: {  	_ =	shalt  }
.Lfunc_end0:
.L_simem_size_0:
called_computation_lowered:
.L_overlay_start_0:
0x88: {  	s2 =	sld [smem:$0x3FD9]  }
0x89: {  	s3 =	sld [smem:$0x3FFE];
	_ =	sdelay $0x1  }
0x8a: {  	s1 =	srdreg.scid  }
0x8b: {  	s0 =	sand.u32 $0x1, s1  }
0x8c: {  	s24 =	sshll.u32 s0, $0xA;
	s2 =	sadd.s32 s3, s2  }
0x8d: {  	s2 =	sadd.s32 s2, s24  }
0x8e: {  	s7 =	simm.s32 $0x0;
	[smem:$0x3FC2] =	sst s2  }
0x8f: {  	[smem:$0xF] =	sst s7  }
0x90: {  	s25 =	sld [smem:$0x3FC8]  }
0x91: {  	s2 =	sld [smem:$0x3FC6];
	(tm) =	ssettm $0x1  }
0x92: {  	s4 =	sld [smem:$0x3FFB];
	_ =	sdelay $0x3  }
0x93: {  	_ =	strace s4  }
0x94: {  	s4 =	sld [smem:$0x3FFC];
	_ =	sdelay $0x3  }
0x95: {  	_ =	strace s4  }
0x96: {  	s4 =	sld [smem:$0x3FFD];
	_ =	sdelay $0x3  }
0x97: {  	_ =	strace s4  }
0x98: {  	s26 =	simm.s32 $0x1B8B;
	_ =	strace $0x8FFFFFFF  }
0x99: {  	_ =	swait.ge [sflag:s26], $0x1  }
0x9a: {  	[sflag:s26] =	ssyncset.done $0x0  }
0x9b: {  	s5 =	simm.s32 $0x1B8E;
	[sflag:s26] =	ssyncadd.s32 $0xFFFFFFFF  }
0x9c: {  	s29 =	simm.s32 $0x9;
	[smem:$0x3FD2] =	sst s5  }
0x9d: {  	s6 =	simm.s32 $0x10;
	s28 =	sld [smem:$0x3FFE];
	_ =	strace $0x80000046  }
0x9e: {  	[smem:s6], [sflag:s29] =	dma.local [hbm:s25], $0x10  }
0x9f: {  	_ =	swait.ge [sflag:s29], $0x10  }
0xa0: {  	s30 =	sshll.u32 s0, $0x6;
	[sflag:s29] =	ssyncset.done $0x0  }
0xa1: {  	s8 =	sor.u32 $0x10, s30;
	[sflag:s29] =	ssyncadd.s32 $0xFFFFFFF0  }
0xa2: {  	s5 =	sld [smem:s8+$0x0];
	_ =	sdelay $0x2  }
0xa3: {  	s7 =	sand.u32 $0x70, s7;
	s4 =	simm.s32 $0x1  }
0xa4: {  	s3 =	sadd.s32 $0x1200, s28;
	s9 =	sshll.u32 s5, $0xA;
	s5 =	sshll.u32 s5, $0x7  }
0xa5: {  	s6 =	sshll.u32 s0, $0xD;
	s9 =	sand.u32 $0xFFFFE000, s9;
	s10 =	sand.u32 $0x380, s5  }
0xa6: {  	s31 =	sand.u32 $0x3C00, s6;
	s11 =	sadd.s32 s3, s7;
	s9 =	sor.u32 s10, s9  }
0xa7: {  	s7 =	simm.s32 $0xA;
	s8 =	sadd.s32 $0x1, s8;
	s9 =	sshrl.u32 s9, $0x3  }
0xa8: {  	s5 =	simm.s32 $0x80;
	s10 =	sadd.s32 s31, s11;
	s9 =	sadd.s32 s2, s9  }
0xa9: {  	[hbm:s10@s5], [sflag:s7] =	dma.strided [hbm:s9@s5], $0x80, s4, $0x10   }
0xaa: {  	s10 =	simm.s32 $0x10;
	s9 =	simm.s32 $0x20;
	s11 =	sld [smem:s8+$0x0]  }
.LBB1_1:
0xab: {  	p0 =	sne.s32 s9, $0x3F0;
	_ =	sdelay $0x2  }
0xac: {  	s12 =	sshll.u32 s11, $0xA;
	s11 =	sshll.u32 s11, $0x7  }
0xad: {  	s10 =	sand.u32 $0x70, s10;
	s12 =	sand.u32 $0xFFFFE000, s12;
	s11 =	sand.u32 $0x380, s11  }
0xae: {  	s6 =	sadd.s32 $0x80, s6;
	s10 =	sadd.s32 s3, s10;
	s11 =	sor.u32 s11, s12  }
.Ltmp0:
0xaf: {  	s12 =	sand.u32 $0x3C00, s6;
	s11 =	sshrl.u32 s11, $0x3;
	(pc) =	sbr.rel @p0 .LBB1_1-.Ltmp0, $3  }
0xb0: {  	s8 =	sadd.s32 $0x1, s8;
	s10 =	sadd.s32 s12, s10;
	s11 =	sadd.s32 s2, s11  }
0xb1: {  	[hbm:s10@s5], [sflag:s7] =	dma.strided [hbm:s11@s5], $0x80, s4, $0x10   }
0xb2: {  	s10 =	smov.u32 s9;
	s9 =	sadd.s32 $0x10, s9;
	s11 =	sld [smem:s8+$0x0]  }
0xb3: {  	_ =	sdelay $0x2  }
0xb4: {  	s8 =	sshll.u32 s11, $0xA;
	s9 =	sshll.u32 s11, $0x7  }
0xb5: {  	s8 =	sand.u32 $0xFFFFE000, s8;
	s9 =	sand.u32 $0x380, s9  }
0xb6: {  	s10 =	sand.u32 $0x70, s10;
	s6 =	sadd.s32 $0x80, s6;
	s8 =	sor.u32 s9, s8  }
0xb7: {  	s6 =	sand.u32 $0x3C00, s6;
	s3 =	sadd.s32 s3, s10;
	s8 =	sshrl.u32 s8, $0x3  }
0xb8: {  	s3 =	sadd.s32 s6, s3;
	s2 =	sadd.s32 s2, s8  }
0xb9: {  	[hbm:s3@s5], [sflag:s7] =	dma.strided [hbm:s2@s5], $0x80, s4, $0x10   }
0xba: {  	s2 =	simm.s32 $0xA  }
0xbb: {  	_ =	swait.ge [sflag:s2], $0x80  }
0xbc: {  	s3 =	simm.s32 $0x3F;
	[sflag:s2] =	ssyncset.done $0x0  }
.LBB1_3:
0xbd: {  	p0 =	sne.s32 s3, $0x1;
	s3 =	sadd.s32 $0xFFFFFFFF, s3;
	[sflag:s2] =	ssyncadd.s32 $0xFFFFFF80  }
.Ltmp1:
0xbe: {  	(pc) =	sbr.rel @p0 .LBB1_3-.Ltmp1, $3  }
0xbf: {  	_ = 	snop  }
0xc0: {  	_ =	swait.ge [sflag:s2], $0x80  }
0xc1: {  	[sflag:s2] =	ssyncset.done $0x0  }
0xc2: {  	[sflag:s2] =	ssyncadd.s32 $0xFFFFFF80  }
0xc3: {  	_ =	strace $0x90000046  }
0xc4: {  	_ =	sfence  }
0xc5: {  	s30 =	sld [smem:$0x0];
	_ =	sdelay $0x2  }
0xc6: {  	s3 =	sshll.u32 s1, $0xD;
	s31 =	sshrl.u32 s1, $0x2  }
0xc7: {  	s3 =	sand.u32 $0x4000, s3;
	s1 =	sadd.s32 s31, s30  }
0xc8: {  	s0 =	sor.u32 s3, s0;
	s1 =	sshll.u32 s1, $0x11  }
0xc9: {  	s0 =	sor.u32 s1, s0  }
0xca: {  	s0 =	sadd.s32 $0x8F2B, s0;
	(pc) =	sbr.abs _section_cstart, $3  }
0xcb: {  	[sflag:s0] =	ssyncadd.remote.s32 $0x1  }
0xcc: {  	_ =	strace $0x9FFFFFFF  }
0xcd: {  	(tm) =	ssettm $0x7FFFFFFF  }

</sc_bundles>
